<compile_context>
chip_gen: v7x
topology: tpu7x:2x2x1
jax: 0.10.2.dev20260603
libtpu: 0.0.44.dev20260713+nightly
codegen_flags: <defaults>
</compile_context>

<pallas_src>
import jax
import jax.numpy as jnp
from jax import lax
from jax.experimental import pallas as pl
from jax.experimental.pallas import tpu as pltpu
from jax.experimental.pallas import tpu_sc as plsc

N_LEVEL = 26
N_EMB = 100000
D_EMB = 32
BATCH = 16384

BCHUNK = 4096
L = 16
GROUPS = BCHUNK // L
UNROLL = 8


def _body(idx_hbm, w_hbm, out_hbm, plane_v, idx_v, out_v):
    wid = lax.axis_index("s") * 2 + lax.axis_index("c")

    def do_level(l, _):
        r = l * D_EMB + wid
        pltpu.sync_copy(w_hbm.at[r], plane_v)

        def do_chunk(c, _):
            b0 = c * BCHUNK
            pltpu.sync_copy(idx_hbm.at[l, pl.ds(b0, BCHUNK)], idx_v)

            def do_groups(g, _):
                for u in range(UNROLL):
                    sl = pl.ds((g * UNROLL + u) * L, L)
                    out_v[sl] = plsc.load_gather(plane_v, [idx_v[sl]])
                return 0

            lax.fori_loop(0, GROUPS // UNROLL, do_groups, 0)
            pltpu.sync_copy(out_v, out_hbm.at[r, pl.ds(b0, BCHUNK)])
            return 0

        lax.fori_loop(0, BATCH // BCHUNK, do_chunk, 0)
        return 0

    lax.fori_loop(0, N_LEVEL, do_level, 0)


def kernel(idx, weight):
    w2 = jnp.swapaxes(weight, 1, 2).reshape(N_LEVEL * D_EMB, N_EMB)
    idx = idx.astype(jnp.int32)

    mesh = plsc.VectorSubcoreMesh(core_axis_name="c", subcore_axis_name="s")
    out_t = pl.kernel(
        _body,
        out_type=jax.ShapeDtypeStruct((N_LEVEL * D_EMB, BATCH), jnp.float32),
        mesh=mesh,
        compiler_params=pltpu.CompilerParams(needs_layout_passes=False),
        scratch_types=[
            pltpu.VMEM((N_EMB,), jnp.float32),
            pltpu.VMEM((BCHUNK,), jnp.int32),
            pltpu.VMEM((BCHUNK,), jnp.float32),
        ],
    )(idx, w2)
    return out_t.reshape(N_LEVEL, D_EMB, BATCH).swapaxes(1, 2)

# --- scband reference (transcript-rebuilt; emitter-appended) ---
"""Pipeline reference for scband-multi-embedding-36146444763869 (READ-ONLY COPY).

The authoritative reference and input builder live on the scoring server;
editing this copy changes nothing except your own understanding.
"""

import jax, jax.numpy as jnp
import numpy as np

N_LEVEL = 26
N_EMB = 100000
D_EMB = 32
BATCH = 16384

def setup_inputs(seed: int = 0) -> dict:
    key = jax.random.key(seed)
    k1, k2 = jax.random.split(key)
    idx = jax.random.randint(k1, (N_LEVEL, BATCH), 0, N_EMB)
    weight = jax.random.normal(k2, (N_LEVEL, N_EMB, D_EMB), dtype=jnp.float32)
    return {"idx": idx, "weight": weight}

def reference(idx, weight):
    # torch.vmap(nn.functional.embedding)(idx, weight): per-level embedding lookup
    # out[l, b, :] = weight[l, idx[l, b], :]
    def per_level(i, w):
        return jnp.take(w, i, axis=0)
    return jax.vmap(per_level)(idx, weight)

if __name__ == "__main__":
    import jax
    _d = setup_inputs()
    print(jax.jit(kernel)(*tuple(_d.values())))

</pallas_src>

<mosaic_0001>
#map = affine_map<(d0, d1) -> (0, 0)>
module attributes {stable_mosaic.version = 14 : i64} {
  func.func @_body(%arg0: i32, %arg1: i32, %arg2: memref<26x16384xi32, #tpu.memory_space<hbm>>, %arg3: memref<832x100000xf32, #tpu.memory_space<hbm>>, %arg4: memref<832x16384xf32, #tpu.memory_space<hbm>>, %arg5: memref<100000xf32, #tpu.memory_space<vmem>>, %arg6: memref<4096xi32, #tpu.memory_space<vmem>>, %arg7: memref<4096xf32, #tpu.memory_space<vmem>>) attributes {dimension_semantics = [#tpu.dimension_semantics<core_parallel>, #tpu.dimension_semantics<subcore_parallel>], iteration_bounds = array<i64: 2, 16>, scalar_prefetch = 0 : i64, scratch_operands = 3 : i64, tpu.core_type = #tpu.core_type<sc_vector_subcore>, window_params = [{transform_indices = #map}, {transform_indices = #map}, {transform_indices = #map}]} {
    %mul3A = arith.constant 2 : i32
    %mul3A_0 = arith.muli %arg1, %mul3A : i32
    %add3A = arith.addi %mul3A_0, %arg0 : i32
    %scan3A = arith.constant 0 : i32
    %scan3A_1 = arith.constant 0 : i32
    %scan3A_2 = arith.constant 26 : i32
    %scan3A_3 = arith.addi %scan3A_1, %scan3A_2 : i32
    %scan3A_4 = arith.constant 1 : i32
    %scan3A_5 = scf.for %scan3A_7 = %scan3A_1 to %scan3A_3 step %scan3A_4 iter_args(%scan3A_8 = %scan3A) -> (i32)  : i32 {
      %mul3A_9 = arith.constant 32 : i32
      %mul3A_10 = arith.muli %scan3A_7, %mul3A_9 : i32
      %add3A_11 = arith.addi %mul3A_10, %add3A : i32
      "tpu.region"() ({
        %run_scoped3A = tpu.sem_alloc : memref<!tpu.dma_semaphore, #tpu.memory_space<semaphore_mem>>
        %dma_start3A = arith.constant 0 : i32
        %dma_start3A_20 = tpu.memref_slice %arg3[%add3A_11, %dma_start3A] : memref<832x100000xf32, #tpu.memory_space<hbm>> -> memref<1x100000xf32, #tpu.memory_space<hbm>>
        %dma_start3A_21 = tpu.memref_squeeze %dma_start3A_20 : memref<1x100000xf32, #tpu.memory_space<hbm>> -> memref<100000xf32, #tpu.memory_space<hbm>>
        %dma_start3A_22 = arith.constant 0 : i32
        %dma_start3A_23 = tpu.memref_slice %arg3[%add3A_11, %dma_start3A_22] : memref<832x100000xf32, #tpu.memory_space<hbm>> -> memref<1x100000xf32, #tpu.memory_space<hbm>>
        %dma_start3A_24 = tpu.memref_squeeze %dma_start3A_23 : memref<1x100000xf32, #tpu.memory_space<hbm>> -> memref<100000xf32, #tpu.memory_space<hbm>>
        tpu.enqueue_dma source(%dma_start3A_24 : memref<100000xf32, #tpu.memory_space<hbm>>) target(%arg5 : memref<100000xf32, #tpu.memory_space<vmem>>) target_semaphore(%run_scoped3A : memref<!tpu.dma_semaphore, #tpu.memory_space<semaphore_mem>>)
        %dma_wait3A = arith.constant 0 : i32
        %dma_wait3A_25 = tpu.memref_slice %arg3[%add3A_11, %dma_wait3A] : memref<832x100000xf32, #tpu.memory_space<hbm>> -> memref<1x100000xf32, #tpu.memory_space<hbm>>
        %dma_wait3A_26 = tpu.memref_squeeze %dma_wait3A_25 : memref<1x100000xf32, #tpu.memory_space<hbm>> -> memref<100000xf32, #tpu.memory_space<hbm>>
        %dma_wait3A_27 = arith.constant 0 : i32
        %dma_wait3A_28 = tpu.memref_slice %arg3[%add3A_11, %dma_wait3A_27] : memref<832x100000xf32, #tpu.memory_space<hbm>> -> memref<1x100000xf32, #tpu.memory_space<hbm>>
        %dma_wait3A_29 = tpu.memref_squeeze %dma_wait3A_28 : memref<1x100000xf32, #tpu.memory_space<hbm>> -> memref<100000xf32, #tpu.memory_space<hbm>>
        tpu.wait_dma2 semaphore(%run_scoped3A : memref<!tpu.dma_semaphore, #tpu.memory_space<semaphore_mem>>) src(%dma_wait3A_29 : memref<100000xf32, #tpu.memory_space<hbm>>) dst(%arg5 : memref<100000xf32, #tpu.memory_space<vmem>>)
        tpu.yield
      }) : () -> ()
      %scan3A_12 = arith.constant 0 : i32
      %scan3A_13 = arith.constant 0 : i32
      %scan3A_14 = arith.constant 4 : i32
      %scan3A_15 = arith.addi %scan3A_13, %scan3A_14 : i32
      %scan3A_16 = arith.constant 1 : i32
      %scan3A_17 = scf.for %scan3A_20 = %scan3A_13 to %scan3A_15 step %scan3A_16 iter_args(%scan3A_21 = %scan3A_12) -> (i32)  : i32 {
        %mul3A_22 = arith.constant 4096 : i32
        %mul3A_23 = arith.muli %scan3A_20, %mul3A_22 : i32
        "tpu.region"() ({
          %run_scoped3A = tpu.sem_alloc : memref<!tpu.dma_semaphore, #tpu.memory_space<semaphore_mem>>
          %dma_start3A = tpu.memref_slice %arg2[%scan3A_7, %mul3A_23] : memref<26x16384xi32, #tpu.memory_space<hbm>> -> memref<1x4096xi32, #tpu.memory_space<hbm>>
          %dma_start3A_32 = tpu.memref_squeeze %dma_start3A : memref<1x4096xi32, #tpu.memory_space<hbm>> -> memref<4096xi32, #tpu.memory_space<hbm>>
          %dma_start3A_33 = tpu.memref_slice %arg2[%scan3A_7, %mul3A_23] : memref<26x16384xi32, #tpu.memory_space<hbm>> -> memref<1x4096xi32, #tpu.memory_space<hbm>>
          %dma_start3A_34 = tpu.memref_squeeze %dma_start3A_33 : memref<1x4096xi32, #tpu.memory_space<hbm>> -> memref<4096xi32, #tpu.memory_space<hbm>>
          tpu.enqueue_dma source(%dma_start3A_34 : memref<4096xi32, #tpu.memory_space<hbm>>) target(%arg6 : memref<4096xi32, #tpu.memory_space<vmem>>) target_semaphore(%run_scoped3A : memref<!tpu.dma_semaphore, #tpu.memory_space<semaphore_mem>>)
          %dma_wait3A = tpu.memref_slice %arg2[%scan3A_7, %mul3A_23] : memref<26x16384xi32, #tpu.memory_space<hbm>> -> memref<1x4096xi32, #tpu.memory_space<hbm>>
          %dma_wait3A_35 = tpu.memref_squeeze %dma_wait3A : memref<1x4096xi32, #tpu.memory_space<hbm>> -> memref<4096xi32, #tpu.memory_space<hbm>>
          %dma_wait3A_36 = tpu.memref_slice %arg2[%scan3A_7, %mul3A_23] : memref<26x16384xi32, #tpu.memory_space<hbm>> -> memref<1x4096xi32, #tpu.memory_space<hbm>>
          %dma_wait3A_37 = tpu.memref_squeeze %dma_wait3A_36 : memref<1x4096xi32, #tpu.memory_space<hbm>> -> memref<4096xi32, #tpu.memory_space<hbm>>
          tpu.wait_dma2 semaphore(%run_scoped3A : memref<!tpu.dma_semaphore, #tpu.memory_space<semaphore_mem>>) src(%dma_wait3A_37 : memref<4096xi32, #tpu.memory_space<hbm>>) dst(%arg6 : memref<4096xi32, #tpu.memory_space<vmem>>)
          tpu.yield
        }) : () -> ()
        %scan3A_24 = arith.constant 0 : i32
        %scan3A_25 = arith.constant 0 : i32
        %scan3A_26 = arith.constant 32 : i32
        %scan3A_27 = arith.addi %scan3A_25, %scan3A_26 : i32
        %scan3A_28 = arith.constant 1 : i32
        %scan3A_29 = scf.for %scan3A_32 = %scan3A_25 to %scan3A_27 step %scan3A_28 iter_args(%scan3A_33 = %scan3A_24) -> (i32)  : i32 {
          %mul3A_34 = arith.constant 8 : i32
          %mul3A_35 = arith.muli %scan3A_32, %mul3A_34 : i32
          %add3A_36 = arith.constant 0 : i32
          %add3A_37 = arith.addi %mul3A_35, %add3A_36 : i32
          %mul3A_38 = arith.constant 16 : i32
          %mul3A_39 = arith.muli %add3A_37, %mul3A_38 : i32
          %get3A = arith.index_cast %mul3A_39 : i32 to index
          %get3A_40 = tpu.vector_load %arg6[%get3A] {strides = array<i32>} : memref<4096xi32, #tpu.memory_space<vmem>>, vector<16xi32>,
          %gather3A = tpu.vector_load_idx %arg5[%get3A_40] : memref<100000xf32, #tpu.memory_space<vmem>>[vector<16xi32>], vector<16xf32>,
          %swap3A = arith.index_cast %mul3A_39 : i32 to index
          %swap3A_41 = tpu.vector_load %arg7[%swap3A] {strides = array<i32>} : memref<4096xf32, #tpu.memory_space<vmem>>, vector<16xf32>,
          tpu.vector_store %arg7[%swap3A], %gather3A {strides = array<i32>} : memref<4096xf32, #tpu.memory_space<vmem>>, vector<16xf32>,
          %mul3A_42 = arith.constant 8 : i32
          %mul3A_43 = arith.muli %scan3A_32, %mul3A_42 : i32
          %add3A_44 = arith.constant 1 : i32
          %add3A_45 = arith.addi %mul3A_43, %add3A_44 : i32
          %mul3A_46 = arith.constant 16 : i32
          %mul3A_47 = arith.muli %add3A_45, %mul3A_46 : i32
          %get3A_48 = arith.index_cast %mul3A_47 : i32 to index
          %get3A_49 = tpu.vector_load %arg6[%get3A_48] {strides = array<i32>} : memref<4096xi32, #tpu.memory_space<vmem>>, vector<16xi32>,
          %gather3A_50 = tpu.vector_load_idx %arg5[%get3A_49] : memref<100000xf32, #tpu.memory_space<vmem>>[vector<16xi32>], vector<16xf32>,
          %swap3A_51 = arith.index_cast %mul3A_47 : i32 to index
          %swap3A_52 = tpu.vector_load %arg7[%swap3A_51] {strides = array<i32>} : memref<4096xf32, #tpu.memory_space<vmem>>, vector<16xf32>,
          tpu.vector_store %arg7[%swap3A_51], %gather3A_50 {strides = array<i32>} : memref<4096xf32, #tpu.memory_space<vmem>>, vector<16xf32>,
          %mul3A_53 = arith.constant 8 : i32
          %mul3A_54 = arith.muli %scan3A_32, %mul3A_53 : i32
          %add3A_55 = arith.constant 2 : i32
          %add3A_56 = arith.addi %mul3A_54, %add3A_55 : i32
          %mul3A_57 = arith.constant 16 : i32
          %mul3A_58 = arith.muli %add3A_56, %mul3A_57 : i32
          %get3A_59 = arith.index_cast %mul3A_58 : i32 to index
          %get3A_60 = tpu.vector_load %arg6[%get3A_59] {strides = array<i32>} : memref<4096xi32, #tpu.memory_space<vmem>>, vector<16xi32>,
          %gather3A_61 = tpu.vector_load_idx %arg5[%get3A_60] : memref<100000xf32, #tpu.memory_space<vmem>>[vector<16xi32>], vector<16xf32>,
          %swap3A_62 = arith.index_cast %mul3A_58 : i32 to index
          %swap3A_63 = tpu.vector_load %arg7[%swap3A_62] {strides = array<i32>} : memref<4096xf32, #tpu.memory_space<vmem>>, vector<16xf32>,
          tpu.vector_store %arg7[%swap3A_62], %gather3A_61 {strides = array<i32>} : memref<4096xf32, #tpu.memory_space<vmem>>, vector<16xf32>,
          %mul3A_64 = arith.constant 8 : i32
          %mul3A_65 = arith.muli %scan3A_32, %mul3A_64 : i32
          %add3A_66 = arith.constant 3 : i32
          %add3A_67 = arith.addi %mul3A_65, %add3A_66 : i32
          %mul3A_68 = arith.constant 16 : i32
          %mul3A_69 = arith.muli %add3A_67, %mul3A_68 : i32
          %get3A_70 = arith.index_cast %mul3A_69 : i32 to index
          %get3A_71 = tpu.vector_load %arg6[%get3A_70] {strides = array<i32>} : memref<4096xi32, #tpu.memory_space<vmem>>, vector<16xi32>,
          %gather3A_72 = tpu.vector_load_idx %arg5[%get3A_71] : memref<100000xf32, #tpu.memory_space<vmem>>[vector<16xi32>], vector<16xf32>,
          %swap3A_73 = arith.index_cast %mul3A_69 : i32 to index
          %swap3A_74 = tpu.vector_load %arg7[%swap3A_73] {strides = array<i32>} : memref<4096xf32, #tpu.memory_space<vmem>>, vector<16xf32>,
          tpu.vector_store %arg7[%swap3A_73], %gather3A_72 {strides = array<i32>} : memref<4096xf32, #tpu.memory_space<vmem>>, vector<16xf32>,
          %mul3A_75 = arith.constant 8 : i32
          %mul3A_76 = arith.muli %scan3A_32, %mul3A_75 : i32
          %add3A_77 = arith.constant 4 : i32
          %add3A_78 = arith.addi %mul3A_76, %add3A_77 : i32
          %mul3A_79 = arith.constant 16 : i32
          %mul3A_80 = arith.muli %add3A_78, %mul3A_79 : i32
          %get3A_81 = arith.index_cast %mul3A_80 : i32 to index
          %get3A_82 = tpu.vector_load %arg6[%get3A_81] {strides = array<i32>} : memref<4096xi32, #tpu.memory_space<vmem>>, vector<16xi32>,
          %gather3A_83 = tpu.vector_load_idx %arg5[%get3A_82] : memref<100000xf32, #tpu.memory_space<vmem>>[vector<16xi32>], vector<16xf32>,
          %swap3A_84 = arith.index_cast %mul3A_80 : i32 to index
          %swap3A_85 = tpu.vector_load %arg7[%swap3A_84] {strides = array<i32>} : memref<4096xf32, #tpu.memory_space<vmem>>, vector<16xf32>,
          tpu.vector_store %arg7[%swap3A_84], %gather3A_83 {strides = array<i32>} : memref<4096xf32, #tpu.memory_space<vmem>>, vector<16xf32>,
          %mul3A_86 = arith.constant 8 : i32
          %mul3A_87 = arith.muli %scan3A_32, %mul3A_86 : i32
          %add3A_88 = arith.constant 5 : i32
          %add3A_89 = arith.addi %mul3A_87, %add3A_88 : i32
          %mul3A_90 = arith.constant 16 : i32
          %mul3A_91 = arith.muli %add3A_89, %mul3A_90 : i32
          %get3A_92 = arith.index_cast %mul3A_91 : i32 to index
          %get3A_93 = tpu.vector_load %arg6[%get3A_92] {strides = array<i32>} : memref<4096xi32, #tpu.memory_space<vmem>>, vector<16xi32>,
          %gather3A_94 = tpu.vector_load_idx %arg5[%get3A_93] : memref<100000xf32, #tpu.memory_space<vmem>>[vector<16xi32>], vector<16xf32>,
          %swap3A_95 = arith.index_cast %mul3A_91 : i32 to index
          %swap3A_96 = tpu.vector_load %arg7[%swap3A_95] {strides = array<i32>} : memref<4096xf32, #tpu.memory_space<vmem>>, vector<16xf32>,
          tpu.vector_store %arg7[%swap3A_95], %gather3A_94 {strides = array<i32>} : memref<4096xf32, #tpu.memory_space<vmem>>, vector<16xf32>,
          %mul3A_97 = arith.constant 8 : i32
          %mul3A_98 = arith.muli %scan3A_32, %mul3A_97 : i32
          %add3A_99 = arith.constant 6 : i32
          %add3A_100 = arith.addi %mul3A_98, %add3A_99 : i32
          %mul3A_101 = arith.constant 16 : i32
          %mul3A_102 = arith.muli %add3A_100, %mul3A_101 : i32
          %get3A_103 = arith.index_cast %mul3A_102 : i32 to index
          %get3A_104 = tpu.vector_load %arg6[%get3A_103] {strides = array<i32>} : memref<4096xi32, #tpu.memory_space<vmem>>, vector<16xi32>,
          %gather3A_105 = tpu.vector_load_idx %arg5[%get3A_104] : memref<100000xf32, #tpu.memory_space<vmem>>[vector<16xi32>], vector<16xf32>,
          %swap3A_106 = arith.index_cast %mul3A_102 : i32 to index
          %swap3A_107 = tpu.vector_load %arg7[%swap3A_106] {strides = array<i32>} : memref<4096xf32, #tpu.memory_space<vmem>>, vector<16xf32>,
          tpu.vector_store %arg7[%swap3A_106], %gather3A_105 {strides = array<i32>} : memref<4096xf32, #tpu.memory_space<vmem>>, vector<16xf32>,
          %mul3A_108 = arith.constant 8 : i32
          %mul3A_109 = arith.muli %scan3A_32, %mul3A_108 : i32
          %add3A_110 = arith.constant 7 : i32
          %add3A_111 = arith.addi %mul3A_109, %add3A_110 : i32
          %mul3A_112 = arith.constant 16 : i32
          %mul3A_113 = arith.muli %add3A_111, %mul3A_112 : i32
          %get3A_114 = arith.index_cast %mul3A_113 : i32 to index
          %get3A_115 = tpu.vector_load %arg6[%get3A_114] {strides = array<i32>} : memref<4096xi32, #tpu.memory_space<vmem>>, vector<16xi32>,
          %gather3A_116 = tpu.vector_load_idx %arg5[%get3A_115] : memref<100000xf32, #tpu.memory_space<vmem>>[vector<16xi32>], vector<16xf32>,
          %swap3A_117 = arith.index_cast %mul3A_113 : i32 to index
          %swap3A_118 = tpu.vector_load %arg7[%swap3A_117] {strides = array<i32>} : memref<4096xf32, #tpu.memory_space<vmem>>, vector<16xf32>,
          tpu.vector_store %arg7[%swap3A_117], %gather3A_116 {strides = array<i32>} : memref<4096xf32, #tpu.memory_space<vmem>>, vector<16xf32>,
          %scan3A_119 = arith.constant 0 : i32
          scf.yield %scan3A_119 : i32
        }
        %scan3A_30 = arith.constant 32 : i32
        "tpu.region"() ({
          %run_scoped3A = tpu.sem_alloc : memref<!tpu.dma_semaphore, #tpu.memory_space<semaphore_mem>>
          %dma_start3A = tpu.memref_slice %arg4[%add3A_11, %mul3A_23] : memref<832x16384xf32, #tpu.memory_space<hbm>> -> memref<1x4096xf32, #tpu.memory_space<hbm>>
          %dma_start3A_32 = tpu.memref_squeeze %dma_start3A : memref<1x4096xf32, #tpu.memory_space<hbm>> -> memref<4096xf32, #tpu.memory_space<hbm>>
          %dma_start3A_33 = tpu.memref_slice %arg4[%add3A_11, %mul3A_23] : memref<832x16384xf32, #tpu.memory_space<hbm>> -> memref<1x4096xf32, #tpu.memory_space<hbm>>
          %dma_start3A_34 = tpu.memref_squeeze %dma_start3A_33 : memref<1x4096xf32, #tpu.memory_space<hbm>> -> memref<4096xf32, #tpu.memory_space<hbm>>
          tpu.enqueue_dma source(%arg7 : memref<4096xf32, #tpu.memory_space<vmem>>) target(%dma_start3A_34 : memref<4096xf32, #tpu.memory_space<hbm>>) target_semaphore(%run_scoped3A : memref<!tpu.dma_semaphore, #tpu.memory_space<semaphore_mem>>)
          %dma_wait3A = tpu.memref_slice %arg4[%add3A_11, %mul3A_23] : memref<832x16384xf32, #tpu.memory_space<hbm>> -> memref<1x4096xf32, #tpu.memory_space<hbm>>
          %dma_wait3A_35 = tpu.memref_squeeze %dma_wait3A : memref<1x4096xf32, #tpu.memory_space<hbm>> -> memref<4096xf32, #tpu.memory_space<hbm>>
          %dma_wait3A_36 = tpu.memref_slice %arg4[%add3A_11, %mul3A_23] : memref<832x16384xf32, #tpu.memory_space<hbm>> -> memref<1x4096xf32, #tpu.memory_space<hbm>>
          %dma_wait3A_37 = tpu.memref_squeeze %dma_wait3A_36 : memref<1x4096xf32, #tpu.memory_space<hbm>> -> memref<4096xf32, #tpu.memory_space<hbm>>
          tpu.wait_dma2 semaphore(%run_scoped3A : memref<!tpu.dma_semaphore, #tpu.memory_space<semaphore_mem>>) src(%arg7 : memref<4096xf32, #tpu.memory_space<vmem>>) dst(%dma_wait3A_37 : memref<4096xf32, #tpu.memory_space<hbm>>)
          tpu.yield
        }) : () -> ()
        %scan3A_31 = arith.constant 0 : i32
        scf.yield %scan3A_31 : i32
      }
      %scan3A_18 = arith.constant 4 : i32
      %scan3A_19 = arith.constant 0 : i32
      scf.yield %scan3A_19 : i32
    }
    %scan3A_6 = arith.constant 26 : i32
    return
  }
}

</mosaic_0001>

<sc_bundles>
// kernel: kernel.3.cloned.1.call-start
scs
__scs_entry_jumppad:
0x0: {  	(pc) =	sbr.rel $0x88, $3  }
0x1: {  	(tag) =	ssettag $0x0;
	lr =	simm.s32 $0x1  }
0x2: {  	[smem:$0x3F9F] =	sst lr;
	_ =	strace $0xD0000000  }
0x3: {  	_ = 	snop  }
0x4: {  	_ = 	snop  }
0x5: {  	_ = 	snop  }
0x6: {  	_ = 	snop  }
0x7: {  	_ = 	snop  }
__scs_overlays_trampoline_lowered:
0x8: {  	[smem:$0x3FAE] =	sst s0  }
0x9: {  	[smem:$0x3FAF] =	sst s1  }
0xa: {  	[smem:$0x3FB0] =	sst s2  }
0xb: {  	[smem:$0x3FB1] =	sst s3  }
0xc: {  	[smem:$0x3FB2] =	sst s4  }
0xd: {  	[smem:$0x3FB3] =	sst s5  }
0xe: {  	[smem:$0x3FB4] =	sst s6  }
0xf: {  	[smem:$0x3FB5] =	sst s7  }
0x10: {  	[smem:$0x3FB6] =	sst s8  }
0x11: {  	[smem:$0x3FB7] =	sst s9;
	s0 =	simm.s32 @!p0 $0x0  }
0x12: {  	s1 =	sld [smem:$0x3F9D];
	s0 =	simm.s32 @p0 $0x1  }
0x13: {  	[smem:$0x3FB8] =	sst s0;
	s0 =	simm.s32 @!p1 $0x0  }
0x14: {  	s2 =	sld [smem:$0x3F9C];
	s0 =	simm.s32 @p1 $0x1  }
0x15: {  	[smem:$0x3FB9] =	sst s0;
	s0 =	simm.s32 @!p2 $0x0  }
0x16: {  	s3 =	sld [smem:$0x3FDB];
	s0 =	simm.s32 @p2 $0x1  }
0x17: {  	s4 =	simm.s32 $0x1BF5;
	[smem:$0x3FBB] =	sst s0  }
0x18: {  	s0 =	sld [smem:$0x3F9E];
	_ =	swait.ge [sflag:s4], $0x0  }
0x19: {  	s7 =	sld [smem:$0x3F9F]  }
0x1a: {  	s8 =	sadd.s32 $0xFFFFE003, lr  }
0x1b: {  	s9 =	sadd.s32 $0xFFFFFEF7, lr;
	s5 =	simm.s32 $0xFFFFFFFF;
	p2 =	slt.u32 s8, $0xFFFFF086  }
0x1c: {  	p1 =	slt.u32 s9, $0xF7A;
	s5 =	simm.s32 @!p2 $0x0  }
0x1d: {  	s5 =	simm.s32 @p1 $0x1;
	p0 =	seq.s32 s7, s2  }
0x1e: {  	s7 =	smul.u32 @!p0 $0xF7A, s2;
	p2 =	seq.s32 @!p0 s5, $0x0  }
0x1f: {  	s9 =	smul.u32 $0xF7A, s1;
	s8 =	simm.s32 @!p0 $0x1BF5;
	p2 =	por !p2, p0  }
0x20: {  	[sflag:s8] =	ssyncset.s32 @!p0 $0xFFFFF086;
	s6 =	sadd.s32 @!p0 s3, s7;
	s7 =	simm.s32 @!p0 $0x108  }
0x21: {  	s3 =	sadd.s32 s3, s9;
	s6 =	sadd.s32 @!p0 $0x88, s6;
	s7 =	simm.s32 @p2 $0x1082  }
0x22: {  	[simem:s7], [sflag:s8] =	dma.local @!p0 [hbm:s6], $0xF7A  }
0x23: {  	s9 =	sor.u32 $0xD0000000, s2;
	s6 =	simm.s32 $0x108;
	_ =	swait.ge @!p0 [sflag:s8], $0x0  }
0x24: {  	s3 =	sadd.s32 $0x88, s3;
	s6 =	simm.s32 @!p1 $0x1082;
	[sflag:s4] =	ssyncset.s32 $0xFFFFF086  }
0x25: {  	[simem:s6], [sflag:s4] =	dma.local [hbm:s3], $0xF7A  }
0x26: {  	[smem:$0x3F9F] =	sst s1;
	(tag) =	ssettag s2;
	_ =	strace s9  }
0x27: {  	s1 =	sld [smem:$0x3FAF]  }
0x28: {  	s2 =	sld [smem:$0x3FB0]  }
0x29: {  	s4 =	sld [smem:$0x3FB2]  }
0x2a: {  	p0 =	seq.s32 s5, $0x0;
	s5 =	sld [smem:$0x3FB3]  }
0x2b: {  	s6 =	sld [smem:$0x3FB4]  }
0x2c: {  	s7 =	sld [smem:$0x3FB5]  }
0x2d: {  	s3 =	simm.s32 $0x108;
	s8 =	sld [smem:$0x3FB6]  }
0x2e: {  	s3 =	simm.s32 @!p0 $0x1082;
	s9 =	sld [smem:$0x3FB7]  }
0x2f: {  	lr =	sadd.s32 s0, s3;
	s0 =	sld [smem:$0x3FAE]  }
0x30: {  	s3 =	sld [smem:$0x3FB1]  }
0x31: {  	[smem:$0x3FBA] =	sst s10  }
0x32: {  	s10 =	sld [smem:$0x3FB8];
	_ =	sdelay $0x3  }
0x33: {  	p0 =	seq.s32 s10, $0x1;
	s10 =	sld [smem:$0x3FBA];
	_ =	sdelay $0x3  }
0x34: {  	[smem:$0x3FBA] =	sst s10  }
0x35: {  	s10 =	sld [smem:$0x3FB9];
	_ =	sdelay $0x3  }
0x36: {  	p1 =	seq.s32 s10, $0x1;
	s10 =	sld [smem:$0x3FBA];
	_ =	sdelay $0x3  }
0x37: {  	[smem:$0x3FBA] =	sst s10  }
0x38: {  	s10 =	sld [smem:$0x3FBB]  }
0x39: {  	_ = 	snop;
	(pc) =	sbr.ind lr, $3  }
0x3a: {  	_ = 	snop  }
0x3b: {  	_ = 	snop  }
0x3c: {  	p2 =	seq.s32 s10, $0x1;
	s10 =	sld [smem:$0x3FBA]  }
0x3d: {  	_ =	shalt  }
0x3e: {  	_ =	shalt  }
0x3f: {  	_ =	shalt  }
0x40: {  	_ =	shalt  }
0x41: {  	_ =	shalt  }
0x42: {  	_ =	shalt  }
0x43: {  	_ =	shalt  }
0x44: {  	_ =	shalt  }
0x45: {  	_ =	shalt  }
0x46: {  	_ =	shalt  }
0x47: {  	_ =	shalt  }
0x48: {  	_ =	shalt  }
0x49: {  	_ =	shalt  }
0x4a: {  	_ =	shalt  }
0x4b: {  	_ =	shalt  }
0x4c: {  	_ =	shalt  }
0x4d: {  	_ =	shalt  }
0x4e: {  	_ =	shalt  }
0x4f: {  	_ =	shalt  }
0x50: {  	_ =	shalt  }
0x51: {  	_ =	shalt  }
0x52: {  	_ =	shalt  }
0x53: {  	_ =	shalt  }
0x54: {  	_ =	shalt  }
0x55: {  	_ =	shalt  }
0x56: {  	_ =	shalt  }
0x57: {  	_ =	shalt  }
0x58: {  	_ =	shalt  }
0x59: {  	_ =	shalt  }
0x5a: {  	_ =	shalt  }
0x5b: {  	_ =	shalt  }
0x5c: {  	_ =	shalt  }
0x5d: {  	_ =	shalt  }
0x5e: {  	_ =	shalt  }
0x5f: {  	_ =	shalt  }
0x60: {  	_ =	shalt  }
0x61: {  	_ =	shalt  }
0x62: {  	_ =	shalt  }
0x63: {  	_ =	shalt  }
0x64: {  	_ =	shalt  }
0x65: {  	_ =	shalt  }
0x66: {  	_ =	shalt  }
0x67: {  	_ =	shalt  }
0x68: {  	_ =	shalt  }
0x69: {  	_ =	shalt  }
0x6a: {  	_ =	shalt  }
0x6b: {  	_ =	shalt  }
0x6c: {  	_ =	shalt  }
0x6d: {  	_ =	shalt  }
0x6e: {  	_ =	shalt  }
0x6f: {  	_ =	shalt  }
0x70: {  	_ =	shalt  }
0x71: {  	_ =	shalt  }
0x72: {  	_ =	shalt  }
0x73: {  	_ =	shalt  }
0x74: {  	_ =	shalt  }
0x75: {  	_ =	shalt  }
0x76: {  	_ =	shalt  }
0x77: {  	_ =	shalt  }
0x78: {  	_ =	shalt  }
0x79: {  	_ =	shalt  }
0x7a: {  	_ =	shalt  }
0x7b: {  	_ =	shalt  }
0x7c: {  	_ =	shalt  }
0x7d: {  	_ =	shalt  }
0x7e: {  	_ =	shalt  }
0x7f: {  	_ =	shalt  }
0x80: {  	_ =	shalt  }
0x81: {  	_ =	shalt  }
0x82: {  	_ =	shalt  }
0x83: {  	_ =	shalt  }
0x84: {  	_ =	shalt  }
0x85: {  	_ =	shalt  }
0x86: {  	_ =	shalt  }
0x87: {  	_ =	shalt  }
.Lfunc_end0:
.L_simem_size_0:
called_computation_lowered:
.L_overlay_start_0:
0x88: {  	s2 =	sld [smem:$0x3FD9]  }
0x89: {  	s3 =	sld [smem:$0x3FFE];
	_ =	sdelay $0x1  }
0x8a: {  	s1 =	srdreg.scid  }
0x8b: {  	s0 =	sand.u32 $0x1, s1  }
0x8c: {  	s18 =	sshll.u32 s0, $0xA;
	s2 =	sadd.s32 s3, s2  }
0x8d: {  	s2 =	sadd.s32 s2, s18  }
0x8e: {  	[smem:$0x3FC6] =	sst s2  }
0x8f: {  	_ = 	snop  }
0x90: {  	s2 =	sld [smem:$0x3FC9]  }
0x91: {  	s19 =	sld [smem:$0x3FC8]  }
0x92: {  	s4 =	sld [smem:$0x3FD0];
	(tm) =	ssettm $0x1  }
0x93: {  	s5 =	sld [smem:$0x3FFB];
	_ =	sdelay $0x3  }
0x94: {  	_ =	strace s5  }
0x95: {  	s5 =	sld [smem:$0x3FFC];
	_ =	sdelay $0x3  }
0x96: {  	_ =	strace s5  }
0x97: {  	s5 =	sld [smem:$0x3FFD];
	_ =	sdelay $0x3  }
0x98: {  	_ =	strace s5  }
0x99: {  	_ =	strace $0x8FFFFFFF  }
0x9a: {  	s20 =	sld [smem:$0x3FDB];
	_ =	sdelay $0x1  }
0x9b: {  	s6 =	simm.s32 $_scs_section_size  }
0x9c: {  	s7 =	simm.s32 $_size__tile_overlayer_lowered;
	s8 =	simm.s32 $_tile_overlayer_lowered  }
0x9d: {  	s23 =	simm.s32 $0x1BFF;
	s22 =	sshll.u32 s8, $0x1;
	s5 =	sadd.s32 s6, s20  }
0x9e: {  	s9 =	simm.s32 $0x0;
	s21 =	sshll.u32 s7, $0x1;
	s7 =	sadd.s32 s22, s5  }
0x9f: {  	[timem:s9], [sflag:s23] =	dma.local [hbm:s7], s21  }
0xa0: {  	_ =	swait.ge [sflag:s23], s21  }
0xa1: {  	s6 =	ssub.s32 $0x0, s21;
	[sflag:s23] =	ssyncset.done $0x0  }
0xa2: {  	[sflag:s23] =	ssyncadd.s32 s6;
	_ =	sdelay $0x1  }
0xa3: {  	s24 =	simm.s32 $0x1B8B  }
0xa4: {  	_ =	swait.ge [sflag:s24], $0x1  }
0xa5: {  	[sflag:s24] =	ssyncset.done $0x0  }
0xa6: {  	s25 =	simm.s32 $0x1B8E;
	[sflag:s24] =	ssyncadd.s32 $0xFFFFFFFF  }
0xa7: {  	s26 =	simm.s32 $execute0_lowered;
	[smem:$0x3FD2] =	sst s25  }
0xa8: {  	s6 =	sshll.u32 s26, $0x1;
	_ =	strace $0x80000046;
	[dreg:$0x1] =	wrdreg $0xFFFFFFFF  }
0xa9: {  	s28 =	simm.s32 $_size_execute0_lowered;
	s5 =	sadd.s32 s5, s6;
	[dreg:$0x0] =	wrdreg $0x0  }
0xaa: {  	s6 =	sshll.u32 s28, $0x1;
	[dreg:$0x2] =	wrdreg s5  }
0xab: {  	[dreg:$0x3] =	wrdreg s6  }
0xac: {  	[dreg:$0x4] =	wrdreg $0xC0  }
0xad: {  	_ =	task [dreg:s9], $0x5FFFF  }
0xae: {  	[dreg:$0x1] =	wrdreg $0xFFFFFFFF  }
0xaf: {  	[dreg:$0x0] =	wrdreg $0x60  }
0xb0: {  	[dreg:$0x2] =	wrdreg s2  }
0xb1: {  	[dreg:$0x3] =	wrdreg s19  }
0xb2: {  	[dreg:$0x4] =	wrdreg s4  }
0xb3: {  	[dreg:$0x5] =	wrdreg $0x9  }
0xb4: {  	_ =	task.clear_ibuf [dreg:s9], $0x6FFFF;
	_ =	strace $0x90000046  }
0xb5: {  	s29 =	simm.s32 $0x9;
	_ =	strace $0x80000048  }
0xb6: {  	_ =	swait.ge [sflag:s29], $0x1  }
0xb7: {  	[sflag:s29] =	ssyncadd.s32 $0xFFFFFFFF  }
0xb8: {  	_ =	strace $0x90000048  }
0xb9: {  	_ =	sfence  }
0xba: {  	s30 =	sld [smem:$0x0];
	_ =	sdelay $0x2  }
0xbb: {  	s31 =	sshll.u32 s1, $0xD;
	s1 =	sshrl.u32 s1, $0x2  }
0xbc: {  	s3 =	sand.u32 $0x4000, s31;
	s1 =	sadd.s32 s1, s30  }
0xbd: {  	s0 =	sor.u32 s3, s0;
	s1 =	sshll.u32 s1, $0x11  }
0xbe: {  	s0 =	sor.u32 s1, s0  }
0xbf: {  	s0 =	sadd.s32 $0x8F2B, s0  }
0xc0: {  	[sflag:s0] =	ssyncadd.remote.s32 $0x1  }
0xc1: {  	_ =	sfence.sel $0xFFFF  }
0xc2: {  	[dreg:$0x0] =	wrdreg $0xFFFFFFFF;
	(pc) =	sbr.abs _section_cstart, $3  }
0xc3: {  	[dreg:$0x1] =	wrdreg $0xFFFFFFFF  }
0xc4: {  	_ =	task.clear_ibuf [dreg:s9], $0x2FFFF;
	_ =	strace $0x9FFFFFFF  }
0xc5: {  	(tm) =	ssettm $0x7FFFFFFF  }
tec
execute0_lowered:
.L_overlay_start_1:
0x0: {  	(tag) =	ssettag $0x1  }
0x1: {  	s2 =	rddreg [dreg:$0x0]  }
0x2: {  	s3 =	rddreg [dreg:$0x1];
	s0 =	srdreg.scid  }
0x3: {  	s4 =	rddreg [dreg:$0x2];
	s1 =	stileid.u32;
	s6 =	simm.s32 $0x0  }
0x4: {  	s10 =	simm.s32 $0x400;
	s11 =	simm.s32 $0x1;
	s12 =	simm.s32 $0x18700  }
0x5: {  	s13 =	simm.s32 $0x19700;
	s14 =	simm.s32 $0x0;
	s7 =	sand.u32 $0x1, s0  }
0x6: {  	s0 =	rddreg [dreg:$0x3];
	s5 =	sshll.u32 s1, $0x1;
	s8 =	ssub.s32 $0x2, s7  }
0x7: {  	[smem:$0x7FF] =	sst s6;
	s7 =	sor.u32 s7, s5;
	s9 =	sshrl.u32 s8, $0x1  }
0x8: {  	_ =	strace $0x80000047;
	s7 =	sshll.u32 s7, $0x7;
	s8 =	ssub.s32 s8, s9  }
0x9: {  	s7 =	sand.u32 $0x380, s7;
	s9 =	simm.s32 $0x80;
	s8 =	smax.u32 s8, $0x1  }
.LBB2_1:
0xa: {  	s15 =	simm.s32 $0x0  }
.LBB2_2:
0xb: {  	s16 =	sshll.u32 s15, $0x5  }
0xc: {  	s16 =	sor.u32 s5, s16  }
0xd: {  	s17 =	sshrl.u32 s16, $0x3  }
0xe: {  	s16 =	smul.u32 $0xC3800, s17;
	_ =	sdelay $0x1  }
0xf: {  	s16 =	sor.u32 s7, s16  }
0x10: {  	s16 =	sshrl.u32 s16, $0x3  }
0x11: {  	s19 =	sshll.u32 s15, $0xE;
	s18 =	sadd.s32 s3, s16;
	s16 =	simm.s32 $0x0  }
0x12: {  	[tilespmem:s16], [sflag:$0x1] =	stream.strided.gather [hbm4b:s18+s9], $0x18700, s10, s9, $0x38;
	[tilespmem:$0x1A700] =	vst v63  }
0x13: {  	s31 =	sshll.u32 s15, $0x7;
	s19 =	sand.u32 $0x60000, s19;
	_ =	swait.ge [sflag:s11], $0x18700  }
0x14: {  	s20 =	sshll.u32 s17, $0x11;
	s18 =	sand.u32 $0x380, s31;
	[sflag:s11] =	ssyncset.done $0x0  }
0x15: {  	s17 =	sor.u32 s18, s19;
	s18 =	sor.u32 s7, s20;
	[sflag:s11] =	ssyncadd.s32 $0xFFFE7900  }
.LBB2_3:
0x16: {  	s19 =	sshll.u32 s16, $0xF  }
0x17: {  	s20 =	sor.u32 s19, s17  }
0x18: {  	s20 =	sshrl.u32 s20, $0x3  }
0x19: {  	s20 =	sadd.s32 s2, s20  }
0x1a: {  	[tilespmem:s12], [sflag:$0x1] =	stream.strided.gather [hbm4b:s20+s9], $0x1000, s10, s9, $0x38;
	[tilespmem:$0x1A700] =	vst v63  }
0x1b: {  	_ =	swait.ge [sflag:s11], $0x1000  }
0x1c: {  	[sflag:s11] =	ssyncset.done $0x0  }
0x1d: {  	s20 =	simm.s32 $0x0;
	[sflag:s11] =	ssyncadd.s32 $0xFFFFF000  }
0x1e: {  	v0 =	vld [tilespmem:s20+$0x18700];
	_ =	sdelay $0x5  }
0x1f: {  	v1 =	vld [tilespmem:s20+$0x18710];
	_ =	sdelay $0x1  }
0x20: {  	v0 =	vld.idx.msk [tilespmem:v0+s6+$0x0], $0xffff;
	_ =	sdelay $0x4  }
0x21: {  	[tilespmem:s20+$0x19700] =	vst v0;
	v0 =	vld [tilespmem:s20+$0x18720]  }
0x22: {  	v1 =	vld.idx.msk [tilespmem:v1+s6+$0x0], $0xffff;
	_ =	sdelay $0x4  }
0x23: {  	[tilespmem:s20+$0x19710] =	vst v1;
	v1 =	vld [tilespmem:s20+$0x18730];
	_ =	sdelay $0x1  }
0x24: {  	v0 =	vld.idx.msk [tilespmem:v0+s6+$0x0], $0xffff;
	_ =	sdelay $0x4  }
0x25: {  	[tilespmem:s20+$0x19720] =	vst v0;
	v0 =	vld [tilespmem:s20+$0x18740]  }
0x26: {  	v1 =	vld.idx.msk [tilespmem:v1+s6+$0x0], $0xffff;
	_ =	sdelay $0x4  }
0x27: {  	[tilespmem:s20+$0x19730] =	vst v1;
	v1 =	vld [tilespmem:s20+$0x18750];
	_ =	sdelay $0x1  }
0x28: {  	v0 =	vld.idx.msk [tilespmem:v0+s6+$0x0], $0xffff;
	_ =	sdelay $0x4  }
0x29: {  	v2 =	vld [tilespmem:s20+$0x18760];
	[tilespmem:s20+$0x19740] =	vst v0  }
0x2a: {  	v0 =	vld.idx.msk [tilespmem:v1+s6+$0x0], $0xffff;
	_ =	sdelay $0x4  }
0x2b: {  	[tilespmem:s20+$0x19750] =	vst v0;
	v0 =	vld [tilespmem:s20+$0x18770];
	_ =	sdelay $0x1  }
0x2c: {  	v1 =	vld.idx.msk [tilespmem:v2+s6+$0x0], $0xffff;
	_ =	sdelay $0x3  }
0x2d: {  	s22 =	simm.s32 $0x80;
	s21 =	simm.s32 $0x400  }
.LBB2_4:
0x2e: {  	p0 =	sne.s32 s21, $0x3E00;
	v2 =	vld [tilespmem:s22+$0x18700];
	[tilespmem:s20+$0x19760] =	vst v1  }
0x2f: {  	v0 =	vld.idx.msk [tilespmem:v0+s6+$0x0], $0xffff;
	_ =	sdelay $0x5  }
0x30: {  	v1 =	vld [tilespmem:s22+$0x18710];
	[tilespmem:s20+$0x19770] =	vst v0;
	s20 =	smov.u32 s22  }
0x31: {  	v0 =	vld.idx.msk [tilespmem:v2+s6+$0x0], $0xffff;
	_ =	sdelay $0x5  }
0x32: {  	[tilespmem:s20+$0x19700] =	vst v0;
	v0 =	vld [tilespmem:s20+$0x18720]  }
0x33: {  	v1 =	vld.idx.msk [tilespmem:v1+s6+$0x0], $0xffff;
	_ =	sdelay $0x5  }
0x34: {  	[tilespmem:s20+$0x19710] =	vst v1;
	v1 =	vld [tilespmem:s20+$0x18730]  }
0x35: {  	v0 =	vld.idx.msk [tilespmem:v0+s6+$0x0], $0xffff;
	_ =	sdelay $0x5  }
0x36: {  	[tilespmem:s20+$0x19720] =	vst v0;
	v0 =	vld [tilespmem:s20+$0x18740]  }
0x37: {  	v1 =	vld.idx.msk [tilespmem:v1+s6+$0x0], $0xffff;
	_ =	sdelay $0x5  }
0x38: {  	[tilespmem:s20+$0x19730] =	vst v1;
	v1 =	vld [tilespmem:s20+$0x18750]  }
0x39: {  	v0 =	vld.idx.msk [tilespmem:v0+s6+$0x0], $0xffff;
	_ =	sdelay $0x5  }
0x3a: {  	[tilespmem:s20+$0x19740] =	vst v0;
	v2 =	vld [tilespmem:s20+$0x18760]  }
0x3b: {  	v0 =	vld.idx.msk [tilespmem:v1+s6+$0x0], $0xffff;
	_ =	sdelay $0x5  }
0x3c: {  	[tilespmem:s20+$0x19750] =	vst v0;
	v0 =	vld [tilespmem:s20+$0x18770]  }
0x3d: {  	v1 =	vld.idx.msk [tilespmem:v2+s6+$0x0], $0xffff  }
.Ltmp0:
0x3e: {  	(pc) =	sbr.rel @p0 .LBB2_4-.Ltmp0, $2  }
0x3f: {  	_ =	sdelay $0x2  }
0x40: {  	s22 =	sshra.s32 s21, $0x2;
	s21 =	sadd.s32 $0x200, s21  }
0x41: {  	_ =	sdelay $0x1  }
0x42: {  	v2 =	vld [tilespmem:s22+$0x18700]  }
0x43: {  	[tilespmem:s20+$0x19760] =	vst v1  }
0x44: {  	v0 =	vld.idx.msk [tilespmem:v0+s6+$0x0], $0xffff;
	_ =	sdelay $0x3  }
0x45: {  	v1 =	vld [tilespmem:s22+$0x18710]  }
0x46: {  	[tilespmem:s20+$0x19770] =	vst v0  }
0x47: {  	v0 =	vld.idx.msk [tilespmem:v2+s6+$0x0], $0xffff;
	_ =	sdelay $0x3  }
0x48: {  	v58 =	vld [tilespmem:s22+$0x18720]  }
0x49: {  	[tilespmem:s22+$0x19700] =	vst v0  }
0x4a: {  	v1 =	vld.idx.msk [tilespmem:v1+s6+$0x0], $0xffff;
	_ =	sdelay $0x3  }
0x4b: {  	v59 =	vld [tilespmem:s22+$0x18730]  }
0x4c: {  	[tilespmem:s22+$0x19710] =	vst v1  }
0x4d: {  	v0 =	vld.idx.msk [tilespmem:v58+s6+$0x0], $0xffff;
	_ =	sdelay $0x3  }
0x4e: {  	v60 =	vld [tilespmem:s22+$0x18740]  }
0x4f: {  	[tilespmem:s22+$0x19720] =	vst v0  }
0x50: {  	v1 =	vld.idx.msk [tilespmem:v59+s6+$0x0], $0xffff;
	_ =	sdelay $0x3  }
0x51: {  	v61 =	vld [tilespmem:s22+$0x18750]  }
0x52: {  	[tilespmem:s22+$0x19730] =	vst v1  }
0x53: {  	v0 =	vld.idx.msk [tilespmem:v60+s6+$0x0], $0xffff;
	_ =	sdelay $0x3  }
0x54: {  	v62 =	vld [tilespmem:s22+$0x18760]  }
0x55: {  	[tilespmem:s22+$0x19740] =	vst v0  }
0x56: {  	v1 =	vld.idx.msk [tilespmem:v61+s6+$0x0], $0xffff;
	_ =	sdelay $0x3  }
0x57: {  	v63 =	vld [tilespmem:s22+$0x18770]  }
0x58: {  	[tilespmem:s22+$0x19750] =	vst v1  }
0x59: {  	v0 =	vld.idx.msk [tilespmem:v62+s6+$0x0], $0xffff;
	_ =	sdelay $0x4  }
0x5a: {  	[tilespmem:s22+$0x19760] =	vst v0  }
0x5b: {  	v0 =	vld.idx.msk [tilespmem:v63+s6+$0x0], $0xffff;
	_ =	sdelay $0x2  }
0x5c: {  	s19 =	sadd.s32 s18, s19;
	s16 =	sadd.s32 $0x1, s16  }
0x5d: {  	s19 =	sshrl.u32 s19, $0x3;
	p0 =	sne.s32 s16, $0x4  }
.Ltmp1:
0x5e: {  	s19 =	sadd.s32 s4, s19;
	[tilespmem:s22+$0x19770] =	vst v0;
	(pc) =	sbr.rel @p0 .LBB2_3-.Ltmp1, $4  }
0x5f: {  	[hbm4b:s19+s9] =	stream.strided.scatter [tilespmem:s13], [sflag:$0x1], $0x1000, s10, s9, $0x38;
	[tilespmem:$0x1A700] =	vst v63  }
0x60: {  	_ =	swait.ge [sflag:s11], $0x1000  }
0x61: {  	[sflag:s11] =	ssyncset.done $0x0  }
0x62: {  	[sflag:s11] =	ssyncadd.s32 $0xFFFFF000  }
0x63: {  	s15 =	sadd.s32 $0x1, s15  }
0x64: {  	p0 =	sne.s32 s15, $0x1A  }
.Ltmp2:
0x65: {  	_ = 	snop;
	(pc) =	sbr.rel @p0 .LBB2_2-.Ltmp2, $1  }
0x66: {  	_ =	sdelay $0x3  }
0x67: {  	s14 =	sadd.s32 $0x1, s14  }
0x68: {  	p0 =	sne.s32 s14, s8  }
.Ltmp3:
0x69: {  	_ = 	snop;
	(pc) =	sbr.rel @p0 .LBB2_1-.Ltmp3, $1  }
0x6a: {  	_ =	sdelay $0x3  }
0x6b: {  	_ =	sfence.sel $0x180000  }
0x6c: {  	[bflag:$0x0] =	sbarrier.arrive $0xFFFF  }
0x6d: {  	p0 =	sne.s32 s1, $0x0;
	_ =	strace $0x90000047  }
0x6e: {  	s0 =	sadd.s32 @!p0 $0x100000, s0;
	[bflag:$0x2] =	sbarrier.arrive $0xFFFF  }
0x6f: {  	[sflag:s0] =	ssyncadd.tile.s32 @!p0 $0x1;
	_ =	shalt  }
.Lfunc_end2:
_tile_overlayer_lowered:
.L_overlay_start_2:
0x70: {  	(tag) =	ssettag $0x2  }
0x71: {  	s0 =	rddreg [dreg:$0x0];
	s2 =	stileid.u32  }
0x72: {  	s1 =	rddreg [dreg:$0x1];
	p0 =	sne.s32 s2, $0x0  }
0x73: {  	s3 =	rddreg [dreg:$0x2];
	[bflag:$0x3] =	sbarrier.arrive $0xFFFF;
	s2 =	simm.s32 @!p0 $0x1C01  }
0x74: {  	[timem:s3], [sflag:s2] =	dma.local @!p0 [hbm:s0], s1  }
0x75: {  	s0 =	simm.s32 @!p0 $0x1  }
0x76: {  	_ =	swait.ge @!p0 [sflag:s0], s1  }
0x77: {  	s1 =	ssub.s32 @!p0 $0x0, s1;
	[sflag:s0] =	ssyncset.done @!p0 $0x0  }
0x78: {  	[sflag:s0] =	ssyncadd.s32 @!p0 s1  }
0x79: {  	[bflag:$0x3] =	sbarrier.arrive $0xFFFF  }
0x7a: {  	_ =	shalt  }

</sc_bundles>
